<compile_context>
chip_gen: v7x
topology: tpu7x:2x2x1
jax: 0.10.2.dev20260603
libtpu: 0.0.44.dev20260713+nightly
codegen_flags: <defaults>
</compile_context>

<pallas_src>
import functools
import jax
import jax.numpy as jnp
from jax import lax
from jax.experimental import pallas as pl
from jax.experimental.pallas import tpu as pltpu
from jax.experimental.pallas import tpu_sc as plsc

CB = 8


def _make_sc_probe(B, C, H, W, nbatch):
    NW = 32
    cpw = (nbatch * C) // NW
    HH = H // 2

    mesh = plsc.VectorSubcoreMesh(core_axis_name="c", subcore_axis_name="s")

    @functools.partial(
        pl.kernel,
        mesh=mesh,
        out_type=jax.ShapeDtypeStruct((nbatch, C, H, W), jnp.float32),
        scratch_types=[
            pltpu.VMEM((HH, W), jnp.float32),
            pltpu.VMEM((HH, W), jnp.float32),
        ],
    )
    def sc_probe(x_hbm, n_hbm, o_hbm, xb, nb):
        cid = lax.axis_index("c")
        sid = lax.axis_index("s")
        wid = cid * 16 + sid
        g0 = wid * cpw

        def body(k2, _):
            g = g0 + k2 // 2
            h0 = (k2 % 2) * HH
            b = (B - nbatch) + g // C
            c = g % C
            pltpu.sync_copy(x_hbm.at[b, c, pl.ds(h0, HH), :], xb)
            pltpu.sync_copy(n_hbm.at[b, c, pl.ds(h0, HH), :], nb)
            pltpu.sync_copy(xb, o_hbm.at[b - (B - nbatch), c, pl.ds(h0, HH), :])
            return 0

        lax.fori_loop(0, cpw * 2, body, 0)

    return sc_probe


def _qsample_body(t_ref, c1tab_ref, c2tab_ref, x_ref, n_ref, o_ref):
    b = pl.program_id(0)
    tt = t_ref[b]
    c1 = c1tab_ref[tt]
    c2 = c2tab_ref[tt]
    o_ref[...] = x_ref[...] * c1 + n_ref[...] * c2


def kernel(x_start, t, noise, sqrt_alphas_cumprod, sqrt_one_minus_alphas_cumprod):
    B, C, H, W = x_start.shape
    grid = (B, C // CB)

    data_spec = pl.BlockSpec((1, CB, H, W), lambda b, c, *_: (b, c, 0, 0))
    tc_out = pl.pallas_call(
        _qsample_body,
        grid_spec=pltpu.PrefetchScalarGridSpec(
            num_scalar_prefetch=3,
            grid=grid,
            in_specs=[data_spec, data_spec],
            out_specs=data_spec,
        ),
        out_shape=jax.ShapeDtypeStruct((B, C, H, W), x_start.dtype),
        compiler_params=pltpu.CompilerParams(
            dimension_semantics=("parallel", "arbitrary"),
        ),
    )(t, sqrt_alphas_cumprod, sqrt_one_minus_alphas_cumprod, x_start, noise)

    sc_fn = _make_sc_probe(B, C, H, W, 2)
    sc_out = sc_fn(x_start, noise)
    return tc_out, sc_out

# --- scband reference (transcript-rebuilt; emitter-appended) ---
"""Pipeline reference for scband-gaussian-diffusion-20040317403258 (READ-ONLY COPY).

The authoritative reference and input builder live on the scoring server;
editing this copy changes nothing except your own understanding.
"""

import jax, jax.numpy as jnp
import numpy as np


def cosine_beta_schedule(timesteps, s=0.008, thres=0.999):
    steps = timesteps + 1
    x = np.linspace(0, timesteps, steps, dtype=np.float64)
    alphas_cumprod = np.cos((x / timesteps + s) / (1 + s) * np.pi * 0.5) ** 2
    alphas_cumprod = alphas_cumprod / alphas_cumprod[0]
    betas = 1 - alphas_cumprod[1:] / alphas_cumprod[:-1]
    return np.clip(betas, 0, thres)


def setup_inputs(seed: int = 0) -> dict:
    key = jax.random.key(seed)
    k1, k2, k3 = jax.random.split(key, 3)
    B, C, H, W = 8, 96, 224, 224
    timesteps = 1000
    betas = cosine_beta_schedule(timesteps)
    alphas_cumprod = np.cumprod(1.0 - betas, axis=0)
    sqrt_alphas_cumprod = jnp.asarray(np.sqrt(alphas_cumprod), dtype=jnp.float32)
    sqrt_one_minus_alphas_cumprod = jnp.asarray(np.sqrt(1.0 - alphas_cumprod), dtype=jnp.float32)
    x_start = jax.random.normal(k1, (B, C, H, W), dtype=jnp.float32)
    noise = jax.random.normal(k2, (B, C, H, W), dtype=jnp.float32)
    t = jax.random.randint(k3, (B,), 0, timesteps)
    return {
        "x_start": x_start,
        "t": t,
        "noise": noise,
        "sqrt_alphas_cumprod": sqrt_alphas_cumprod,
        "sqrt_one_minus_alphas_cumprod": sqrt_one_minus_alphas_cumprod,
    }


def extract(a, t, x_shape):
    b = t.shape[0]
    out = jnp.take(a, t, axis=-1)
    return out.reshape((b,) + (1,) * (len(x_shape) - 1))


def reference(x_start, t, noise, sqrt_alphas_cumprod, sqrt_one_minus_alphas_cumprod):
    # GaussianDiffusion.q_sample: gather per-timestep schedule coefficients
    # (embedding-style lookup into 1D tables) then broadcast-multiply.
    c1 = extract(sqrt_alphas_cumprod, t, x_start.shape)
    c2 = extract(sqrt_one_minus_alphas_cumprod, t, x_start.shape)
    return c1 * x_start + c2 * noise

if __name__ == "__main__":
    import jax
    _d = setup_inputs()
    print(jax.jit(kernel)(*tuple(_d.values())))

</pallas_src>

<mosaic_0001>
#map = affine_map<(d0, d1) -> (0, 0, 0, 0)>
module attributes {stable_mosaic.version = 14 : i64} {
  func.func @sc_probe(%arg0: i32, %arg1: i32, %arg2: memref<8x96x224x224xf32, #tpu.memory_space<hbm>>, %arg3: memref<8x96x224x224xf32, #tpu.memory_space<hbm>>, %arg4: memref<2x96x224x224xf32, #tpu.memory_space<hbm>>, %arg5: memref<112x224xf32, #tpu.memory_space<vmem>>, %arg6: memref<112x224xf32, #tpu.memory_space<vmem>>) attributes {dimension_semantics = [#tpu.dimension_semantics<core_parallel>, #tpu.dimension_semantics<subcore_parallel>], iteration_bounds = array<i64: 2, 16>, scalar_prefetch = 0 : i64, scratch_operands = 2 : i64, tpu.core_type = #tpu.core_type<sc_vector_subcore>, window_params = [{transform_indices = #map}, {transform_indices = #map}, {transform_indices = #map}]} {
    %mul3A = arith.constant 16 : i32
    %mul3A_0 = arith.muli %arg0, %mul3A : i32
    %add3A = arith.addi %mul3A_0, %arg1 : i32
    %mul3A_1 = arith.constant 6 : i32
    %mul3A_2 = arith.muli %add3A, %mul3A_1 : i32
    %scan3A = arith.constant 0 : i32
    %scan3A_3 = arith.constant 0 : i32
    %scan3A_4 = arith.constant 12 : i32
    %scan3A_5 = arith.addi %scan3A_3, %scan3A_4 : i32
    %scan3A_6 = arith.constant 1 : i32
    %scan3A_7 = scf.for %scan3A_9 = %scan3A_3 to %scan3A_5 step %scan3A_6 iter_args(%scan3A_10 = %scan3A) -> (i32)  : i32 {
      %jit3A = arith.constant 2 : i32
      %div3A = arith.divsi %scan3A_9, %jit3A : i32
      %sign3A = arith.constant 0 : i32
      %sign3A_11 = arith.cmpi sgt, %scan3A_9, %sign3A : i32
      %sign3A_12 = arith.extui %sign3A_11 : i1 to i32
      %sign3A_13 = arith.constant 0 : i32
      %sign3A_14 = arith.cmpi slt, %scan3A_9, %sign3A_13 : i32
      %sign3A_15 = arith.extui %sign3A_14 : i1 to i32
      %sign3A_16 = arith.subi %sign3A_12, %sign3A_15 : i32
      %sign3A_17 = arith.constant 0 : i32
      %sign3A_18 = arith.cmpi sgt, %jit3A, %sign3A_17 : i32
      %sign3A_19 = arith.extui %sign3A_18 : i1 to i32
      %sign3A_20 = arith.constant 0 : i32
      %sign3A_21 = arith.cmpi slt, %jit3A, %sign3A_20 : i32
      %sign3A_22 = arith.extui %sign3A_21 : i1 to i32
      %sign3A_23 = arith.subi %sign3A_19, %sign3A_22 : i32
      %ne3A = arith.cmpi ne, %sign3A_16, %sign3A_23 : i32
      %rem3A = arith.remsi %scan3A_9, %jit3A : i32
      %ne3A_24 = arith.constant 0 : i32
      %ne3A_25 = arith.cmpi ne, %rem3A, %ne3A_24 : i32
      %and3A = arith.andi %ne3A, %ne3A_25 : i1
      %sub3A = arith.constant 1 : i32
      %sub3A_26 = arith.subi %div3A, %sub3A : i32
      %select_n3A = arith.select %and3A, %sub3A_26, %div3A : i32
      %add3A_27 = arith.addi %mul3A_2, %select_n3A : i32
      %jit3A_28 = arith.constant 2 : i32
      %eq3A = arith.constant 0 : i32
      %eq3A_29 = arith.cmpi eq, %jit3A_28, %eq3A : i32
      %jit3A_30 = arith.constant 1 : i32
      %select_n3A_31 = arith.select %eq3A_29, %jit3A_30, %jit3A_28 : i32
      %rem3A_32 = arith.remsi %scan3A_9, %select_n3A_31 : i32
      %ne3A_33 = arith.constant 0 : i32
      %ne3A_34 = arith.cmpi ne, %rem3A_32, %ne3A_33 : i32
      %lt3A = arith.constant 0 : i32
      %lt3A_35 = arith.cmpi slt, %rem3A_32, %lt3A : i32
      %lt3A_36 = arith.constant 0 : i32
      %lt3A_37 = arith.cmpi slt, %select_n3A_31, %lt3A_36 : i32
      %ne3A_38 = arith.xori %lt3A_35, %lt3A_37 : i1
      %and3A_39 = arith.andi %ne3A_38, %ne3A_34 : i1
      %add3A_40 = arith.addi %rem3A_32, %select_n3A_31 : i32
      %select_n3A_41 = arith.select %and3A_39, %add3A_40, %rem3A_32 : i32
      %mul3A_42 = arith.constant 112 : i32
      %mul3A_43 = arith.muli %select_n3A_41, %mul3A_42 : i32
      %jit3A_44 = arith.constant 96 : i32
      %div3A_45 = arith.divsi %add3A_27, %jit3A_44 : i32
      %sign3A_46 = arith.constant 0 : i32
      %sign3A_47 = arith.cmpi sgt, %add3A_27, %sign3A_46 : i32
      %sign3A_48 = arith.extui %sign3A_47 : i1 to i32
      %sign3A_49 = arith.constant 0 : i32
      %sign3A_50 = arith.cmpi slt, %add3A_27, %sign3A_49 : i32
      %sign3A_51 = arith.extui %sign3A_50 : i1 to i32
      %sign3A_52 = arith.subi %sign3A_48, %sign3A_51 : i32
      %sign3A_53 = arith.constant 0 : i32
      %sign3A_54 = arith.cmpi sgt, %jit3A_44, %sign3A_53 : i32
      %sign3A_55 = arith.extui %sign3A_54 : i1 to i32
      %sign3A_56 = arith.constant 0 : i32
      %sign3A_57 = arith.cmpi slt, %jit3A_44, %sign3A_56 : i32
      %sign3A_58 = arith.extui %sign3A_57 : i1 to i32
      %sign3A_59 = arith.subi %sign3A_55, %sign3A_58 : i32
      %ne3A_60 = arith.cmpi ne, %sign3A_52, %sign3A_59 : i32
      %rem3A_61 = arith.remsi %add3A_27, %jit3A_44 : i32
      %ne3A_62 = arith.constant 0 : i32
      %ne3A_63 = arith.cmpi ne, %rem3A_61, %ne3A_62 : i32
      %and3A_64 = arith.andi %ne3A_60, %ne3A_63 : i1
      %sub3A_65 = arith.constant 1 : i32
      %sub3A_66 = arith.subi %div3A_45, %sub3A_65 : i32
      %select_n3A_67 = arith.select %and3A_64, %sub3A_66, %div3A_45 : i32
      %add3A_68 = arith.constant 6 : i32
      %add3A_69 = arith.addi %add3A_68, %select_n3A_67 : i32
      %jit3A_70 = arith.constant 96 : i32
      %eq3A_71 = arith.constant 0 : i32
      %eq3A_72 = arith.cmpi eq, %jit3A_70, %eq3A_71 : i32
      %jit3A_73 = arith.constant 1 : i32
      %select_n3A_74 = arith.select %eq3A_72, %jit3A_73, %jit3A_70 : i32
      %rem3A_75 = arith.remsi %add3A_27, %select_n3A_74 : i32
      %ne3A_76 = arith.constant 0 : i32
      %ne3A_77 = arith.cmpi ne, %rem3A_75, %ne3A_76 : i32
      %lt3A_78 = arith.constant 0 : i32
      %lt3A_79 = arith.cmpi slt, %rem3A_75, %lt3A_78 : i32
      %lt3A_80 = arith.constant 0 : i32
      %lt3A_81 = arith.cmpi slt, %select_n3A_74, %lt3A_80 : i32
      %ne3A_82 = arith.xori %lt3A_79, %lt3A_81 : i1
      %and3A_83 = arith.andi %ne3A_82, %ne3A_77 : i1
      %add3A_84 = arith.addi %rem3A_75, %select_n3A_74 : i32
      %select_n3A_85 = arith.select %and3A_83, %add3A_84, %rem3A_75 : i32
      "tpu.region"() ({
        %run_scoped3A = tpu.sem_alloc : memref<!tpu.dma_semaphore, #tpu.memory_space<semaphore_mem>>
        %dma_start3A = arith.constant 0 : i32
        %dma_start3A_89 = tpu.memref_slice %arg2[%add3A_69, %select_n3A_85, %mul3A_43, %dma_start3A] : memref<8x96x224x224xf32, #tpu.memory_space<hbm>> -> memref<1x1x112x224xf32, #tpu.memory_space<hbm>>
        %dma_start3A_90 = tpu.memref_squeeze %dma_start3A_89 : memref<1x1x112x224xf32, #tpu.memory_space<hbm>> -> memref<112x224xf32, #tpu.memory_space<hbm>>
        %dma_start3A_91 = arith.constant 0 : i32
        %dma_start3A_92 = tpu.memref_slice %arg2[%add3A_69, %select_n3A_85, %mul3A_43, %dma_start3A_91] : memref<8x96x224x224xf32, #tpu.memory_space<hbm>> -> memref<1x1x112x224xf32, #tpu.memory_space<hbm>>
        %dma_start3A_93 = tpu.memref_squeeze %dma_start3A_92 : memref<1x1x112x224xf32, #tpu.memory_space<hbm>> -> memref<112x224xf32, #tpu.memory_space<hbm>>
        tpu.enqueue_dma source(%dma_start3A_93 : memref<112x224xf32, #tpu.memory_space<hbm>>) target(%arg5 : memref<112x224xf32, #tpu.memory_space<vmem>>) target_semaphore(%run_scoped3A : memref<!tpu.dma_semaphore, #tpu.memory_space<semaphore_mem>>)
        %dma_wait3A = arith.constant 0 : i32
        %dma_wait3A_94 = tpu.memref_slice %arg2[%add3A_69, %select_n3A_85, %mul3A_43, %dma_wait3A] : memref<8x96x224x224xf32, #tpu.memory_space<hbm>> -> memref<1x1x112x224xf32, #tpu.memory_space<hbm>>
        %dma_wait3A_95 = tpu.memref_squeeze %dma_wait3A_94 : memref<1x1x112x224xf32, #tpu.memory_space<hbm>> -> memref<112x224xf32, #tpu.memory_space<hbm>>
        %dma_wait3A_96 = arith.constant 0 : i32
        %dma_wait3A_97 = tpu.memref_slice %arg2[%add3A_69, %select_n3A_85, %mul3A_43, %dma_wait3A_96] : memref<8x96x224x224xf32, #tpu.memory_space<hbm>> -> memref<1x1x112x224xf32, #tpu.memory_space<hbm>>
        %dma_wait3A_98 = tpu.memref_squeeze %dma_wait3A_97 : memref<1x1x112x224xf32, #tpu.memory_space<hbm>> -> memref<112x224xf32, #tpu.memory_space<hbm>>
        tpu.wait_dma2 semaphore(%run_scoped3A : memref<!tpu.dma_semaphore, #tpu.memory_space<semaphore_mem>>) src(%dma_wait3A_98 : memref<112x224xf32, #tpu.memory_space<hbm>>) dst(%arg5 : memref<112x224xf32, #tpu.memory_space<vmem>>)
        tpu.yield
      }) : () -> ()
      "tpu.region"() ({
        %run_scoped3A = tpu.sem_alloc : memref<!tpu.dma_semaphore, #tpu.memory_space<semaphore_mem>>
        %dma_start3A = arith.constant 0 : i32
        %dma_start3A_89 = tpu.memref_slice %arg3[%add3A_69, %select_n3A_85, %mul3A_43, %dma_start3A] : memref<8x96x224x224xf32, #tpu.memory_space<hbm>> -> memref<1x1x112x224xf32, #tpu.memory_space<hbm>>
        %dma_start3A_90 = tpu.memref_squeeze %dma_start3A_89 : memref<1x1x112x224xf32, #tpu.memory_space<hbm>> -> memref<112x224xf32, #tpu.memory_space<hbm>>
        %dma_start3A_91 = arith.constant 0 : i32
        %dma_start3A_92 = tpu.memref_slice %arg3[%add3A_69, %select_n3A_85, %mul3A_43, %dma_start3A_91] : memref<8x96x224x224xf32, #tpu.memory_space<hbm>> -> memref<1x1x112x224xf32, #tpu.memory_space<hbm>>
        %dma_start3A_93 = tpu.memref_squeeze %dma_start3A_92 : memref<1x1x112x224xf32, #tpu.memory_space<hbm>> -> memref<112x224xf32, #tpu.memory_space<hbm>>
        tpu.enqueue_dma source(%dma_start3A_93 : memref<112x224xf32, #tpu.memory_space<hbm>>) target(%arg6 : memref<112x224xf32, #tpu.memory_space<vmem>>) target_semaphore(%run_scoped3A : memref<!tpu.dma_semaphore, #tpu.memory_space<semaphore_mem>>)
        %dma_wait3A = arith.constant 0 : i32
        %dma_wait3A_94 = tpu.memref_slice %arg3[%add3A_69, %select_n3A_85, %mul3A_43, %dma_wait3A] : memref<8x96x224x224xf32, #tpu.memory_space<hbm>> -> memref<1x1x112x224xf32, #tpu.memory_space<hbm>>
        %dma_wait3A_95 = tpu.memref_squeeze %dma_wait3A_94 : memref<1x1x112x224xf32, #tpu.memory_space<hbm>> -> memref<112x224xf32, #tpu.memory_space<hbm>>
        %dma_wait3A_96 = arith.constant 0 : i32
        %dma_wait3A_97 = tpu.memref_slice %arg3[%add3A_69, %select_n3A_85, %mul3A_43, %dma_wait3A_96] : memref<8x96x224x224xf32, #tpu.memory_space<hbm>> -> memref<1x1x112x224xf32, #tpu.memory_space<hbm>>
        %dma_wait3A_98 = tpu.memref_squeeze %dma_wait3A_97 : memref<1x1x112x224xf32, #tpu.memory_space<hbm>> -> memref<112x224xf32, #tpu.memory_space<hbm>>
        tpu.wait_dma2 semaphore(%run_scoped3A : memref<!tpu.dma_semaphore, #tpu.memory_space<semaphore_mem>>) src(%dma_wait3A_98 : memref<112x224xf32, #tpu.memory_space<hbm>>) dst(%arg6 : memref<112x224xf32, #tpu.memory_space<vmem>>)
        tpu.yield
      }) : () -> ()
      %sub3A_86 = arith.constant 6 : i32
      %sub3A_87 = arith.subi %add3A_69, %sub3A_86 : i32
      "tpu.region"() ({
        %run_scoped3A = tpu.sem_alloc : memref<!tpu.dma_semaphore, #tpu.memory_space<semaphore_mem>>
        %dma_start3A = arith.constant 0 : i32
        %dma_start3A_89 = tpu.memref_slice %arg4[%sub3A_87, %select_n3A_85, %mul3A_43, %dma_start3A] : memref<2x96x224x224xf32, #tpu.memory_space<hbm>> -> memref<1x1x112x224xf32, #tpu.memory_space<hbm>>
        %dma_start3A_90 = tpu.memref_squeeze %dma_start3A_89 : memref<1x1x112x224xf32, #tpu.memory_space<hbm>> -> memref<112x224xf32, #tpu.memory_space<hbm>>
        %dma_start3A_91 = arith.constant 0 : i32
        %dma_start3A_92 = tpu.memref_slice %arg4[%sub3A_87, %select_n3A_85, %mul3A_43, %dma_start3A_91] : memref<2x96x224x224xf32, #tpu.memory_space<hbm>> -> memref<1x1x112x224xf32, #tpu.memory_space<hbm>>
        %dma_start3A_93 = tpu.memref_squeeze %dma_start3A_92 : memref<1x1x112x224xf32, #tpu.memory_space<hbm>> -> memref<112x224xf32, #tpu.memory_space<hbm>>
        tpu.enqueue_dma source(%arg5 : memref<112x224xf32, #tpu.memory_space<vmem>>) target(%dma_start3A_93 : memref<112x224xf32, #tpu.memory_space<hbm>>) target_semaphore(%run_scoped3A : memref<!tpu.dma_semaphore, #tpu.memory_space<semaphore_mem>>)
        %dma_wait3A = arith.constant 0 : i32
        %dma_wait3A_94 = tpu.memref_slice %arg4[%sub3A_87, %select_n3A_85, %mul3A_43, %dma_wait3A] : memref<2x96x224x224xf32, #tpu.memory_space<hbm>> -> memref<1x1x112x224xf32, #tpu.memory_space<hbm>>
        %dma_wait3A_95 = tpu.memref_squeeze %dma_wait3A_94 : memref<1x1x112x224xf32, #tpu.memory_space<hbm>> -> memref<112x224xf32, #tpu.memory_space<hbm>>
        %dma_wait3A_96 = arith.constant 0 : i32
        %dma_wait3A_97 = tpu.memref_slice %arg4[%sub3A_87, %select_n3A_85, %mul3A_43, %dma_wait3A_96] : memref<2x96x224x224xf32, #tpu.memory_space<hbm>> -> memref<1x1x112x224xf32, #tpu.memory_space<hbm>>
        %dma_wait3A_98 = tpu.memref_squeeze %dma_wait3A_97 : memref<1x1x112x224xf32, #tpu.memory_space<hbm>> -> memref<112x224xf32, #tpu.memory_space<hbm>>
        tpu.wait_dma2 semaphore(%run_scoped3A : memref<!tpu.dma_semaphore, #tpu.memory_space<semaphore_mem>>) src(%arg5 : memref<112x224xf32, #tpu.memory_space<vmem>>) dst(%dma_wait3A_98 : memref<112x224xf32, #tpu.memory_space<hbm>>)
        tpu.yield
      }) : () -> ()
      %scan3A_88 = arith.constant 0 : i32
      scf.yield %scan3A_88 : i32
    }
    %scan3A_8 = arith.constant 12 : i32
    return
  }
}

module attributes {stable_mosaic.version = 14 : i64} {
  func.func @_qsample_body(%arg0: i32, %arg1: i32, %arg2: memref<8xi32, #tpu.memory_space<smem>>, %arg3: memref<1000xf32, #tpu.memory_space<smem>>, %arg4: memref<1000xf32, #tpu.memory_space<smem>>, %arg5: memref<1x8x224x224xf32, #tpu.memory_space<vmem>>, %arg6: memref<1x8x224x224xf32, #tpu.memory_space<vmem>>, %arg7: memref<1x8x224x224xf32, #tpu.memory_space<vmem>>) attributes {dimension_semantics = [#tpu.dimension_semantics<parallel>, #tpu.dimension_semantics<arbitrary>], iteration_bounds = array<i64: 8, 12>, scalar_prefetch = 3 : i64, scratch_operands = 0 : i64, tpu.core_type = #tpu.core_type<tc>, window_params = [{transform_indices = @transform_0, window_bounds = array<i64: 1, 8, 224, 224>}, {transform_indices = @transform_1, window_bounds = array<i64: 1, 8, 224, 224>}, {transform_indices = @transform_2, window_bounds = array<i64: 1, 8, 224, 224>}]} {
    %get3A = arith.index_cast %arg0 : i32 to index
    %get3A_0 = memref.load %arg2[%get3A] : memref<8xi32, #tpu.memory_space<smem>>
    %get3A_1 = arith.index_cast %get3A_0 : i32 to index
    %get3A_2 = memref.load %arg3[%get3A_1] : memref<1000xf32, #tpu.memory_space<smem>>
    %get3A_3 = arith.index_cast %get3A_0 : i32 to index
    %get3A_4 = memref.load %arg4[%get3A_3] : memref<1000xf32, #tpu.memory_space<smem>>
    %get3A_5 = arith.constant 0 : index
    %get3A_6 = arith.constant 0 : index
    %get3A_7 = arith.constant 0 : index
    %get3A_8 = arith.constant 0 : index
    %get3A_9 = vector.load %arg5[%get3A_5, %get3A_6, %get3A_7, %get3A_8] : memref<1x8x224x224xf32, #tpu.memory_space<vmem>>, vector<1x8x224x224xf32>
    %mul3A = vector.broadcast %get3A_2 : f32 to vector<1x8x224x224xf32>
    %mul3A_10 = arith.mulf %get3A_9, %mul3A : vector<1x8x224x224xf32>
    %get3A_11 = arith.constant 0 : index
    %get3A_12 = arith.constant 0 : index
    %get3A_13 = arith.constant 0 : index
    %get3A_14 = arith.constant 0 : index
    %get3A_15 = vector.load %arg6[%get3A_11, %get3A_12, %get3A_13, %get3A_14] : memref<1x8x224x224xf32, #tpu.memory_space<vmem>>, vector<1x8x224x224xf32>
    %mul3A_16 = vector.broadcast %get3A_4 : f32 to vector<1x8x224x224xf32>
    %mul3A_17 = arith.mulf %get3A_15, %mul3A_16 : vector<1x8x224x224xf32>
    %add3A = arith.addf %mul3A_10, %mul3A_17 : vector<1x8x224x224xf32>
    %swap3A = arith.constant 0 : index
    %swap3A_18 = arith.constant 0 : index
    %swap3A_19 = arith.constant 0 : index
    %swap3A_20 = arith.constant 0 : index
    %swap3A_21 = vector.load %arg7[%swap3A, %swap3A_18, %swap3A_19, %swap3A_20] : memref<1x8x224x224xf32, #tpu.memory_space<vmem>>, vector<1x8x224x224xf32>
    tpu.vector_store %arg7[%swap3A, %swap3A_18, %swap3A_19, %swap3A_20], %add3A {strides = array<i32>} : memref<1x8x224x224xf32, #tpu.memory_space<vmem>>, vector<1x8x224x224xf32>,
    return
  }
  func.func @transform_0(%arg0: i32, %arg1: i32, %arg2: memref<8xi32, #tpu.memory_space<smem>>, %arg3: memref<1000xf32, #tpu.memory_space<smem>>, %arg4: memref<1000xf32, #tpu.memory_space<smem>>) -> (i32, i32, i32, i32) {
    %c0_i32 = arith.constant 0 : i32
    %c0_i32_0 = arith.constant 0 : i32
    %c0_i32_1 = arith.constant 0 : i32
    return %arg0, %arg1, %c0_i32, %c0_i32_0 : i32, i32, i32, i32
  }
  func.func @transform_1(%arg0: i32, %arg1: i32, %arg2: memref<8xi32, #tpu.memory_space<smem>>, %arg3: memref<1000xf32, #tpu.memory_space<smem>>, %arg4: memref<1000xf32, #tpu.memory_space<smem>>) -> (i32, i32, i32, i32) {
    %c0_i32 = arith.constant 0 : i32
    %c0_i32_0 = arith.constant 0 : i32
    %c0_i32_1 = arith.constant 0 : i32
    return %arg0, %arg1, %c0_i32, %c0_i32_0 : i32, i32, i32, i32
  }
  func.func @transform_2(%arg0: i32, %arg1: i32, %arg2: memref<8xi32, #tpu.memory_space<smem>>, %arg3: memref<1000xf32, #tpu.memory_space<smem>>, %arg4: memref<1000xf32, #tpu.memory_space<smem>>) -> (i32, i32, i32, i32) {
    %c0_i32 = arith.constant 0 : i32
    %c0_i32_0 = arith.constant 0 : i32
    %c0_i32_1 = arith.constant 0 : i32
    return %arg0, %arg1, %c0_i32, %c0_i32_0 : i32, i32, i32, i32
  }
}

</mosaic_0001>

<sc_bundles>
// kernel: kernel.4.cloned.1.call-start
scs
__scs_entry_jumppad:
0x0: {  	(pc) =	sbr.rel $0x88, $3  }
0x1: {  	(tag) =	ssettag $0x0;
	lr =	simm.s32 $0x1  }
0x2: {  	[smem:$0x3F9C] =	sst lr;
	_ =	strace $0xD0000000  }
0x3: {  	_ = 	snop  }
0x4: {  	_ = 	snop  }
0x5: {  	_ = 	snop  }
0x6: {  	_ = 	snop  }
0x7: {  	_ = 	snop  }
__scs_overlays_trampoline_lowered:
0x8: {  	[smem:$0x3FAB] =	sst s0  }
0x9: {  	[smem:$0x3FAC] =	sst s1  }
0xa: {  	[smem:$0x3FAD] =	sst s2  }
0xb: {  	[smem:$0x3FAE] =	sst s3  }
0xc: {  	[smem:$0x3FAF] =	sst s4  }
0xd: {  	[smem:$0x3FB0] =	sst s5  }
0xe: {  	[smem:$0x3FB1] =	sst s6  }
0xf: {  	[smem:$0x3FB2] =	sst s7  }
0x10: {  	[smem:$0x3FB3] =	sst s8  }
0x11: {  	[smem:$0x3FB4] =	sst s9;
	s0 =	simm.s32 @!p0 $0x0  }
0x12: {  	s1 =	sld [smem:$0x3F9A];
	s0 =	simm.s32 @p0 $0x1  }
0x13: {  	[smem:$0x3FB5] =	sst s0;
	s0 =	simm.s32 @!p1 $0x0  }
0x14: {  	s2 =	sld [smem:$0x3F99];
	s0 =	simm.s32 @p1 $0x1  }
0x15: {  	[smem:$0x3FB6] =	sst s0;
	s0 =	simm.s32 @!p2 $0x0  }
0x16: {  	s3 =	sld [smem:$0x3FDB];
	s0 =	simm.s32 @p2 $0x1  }
0x17: {  	s4 =	simm.s32 $0x1BF5;
	[smem:$0x3FB8] =	sst s0  }
0x18: {  	s0 =	sld [smem:$0x3F9B];
	_ =	swait.ge [sflag:s4], $0x0  }
0x19: {  	s7 =	sld [smem:$0x3F9C]  }
0x1a: {  	s8 =	sadd.s32 $0xFFFFE003, lr  }
0x1b: {  	s9 =	sadd.s32 $0xFFFFFEF7, lr;
	s5 =	simm.s32 $0xFFFFFFFF;
	p2 =	slt.u32 s8, $0xFFFFF086  }
0x1c: {  	p1 =	slt.u32 s9, $0xF7A;
	s5 =	simm.s32 @!p2 $0x0  }
0x1d: {  	s5 =	simm.s32 @p1 $0x1;
	p0 =	seq.s32 s7, s2  }
0x1e: {  	s7 =	smul.u32 @!p0 $0xF7A, s2;
	p2 =	seq.s32 @!p0 s5, $0x0  }
0x1f: {  	s9 =	smul.u32 $0xF7A, s1;
	s8 =	simm.s32 @!p0 $0x1BF5;
	p2 =	por !p2, p0  }
0x20: {  	[sflag:s8] =	ssyncset.s32 @!p0 $0xFFFFF086;
	s6 =	sadd.s32 @!p0 s3, s7;
	s7 =	simm.s32 @!p0 $0x108  }
0x21: {  	s3 =	sadd.s32 s3, s9;
	s6 =	sadd.s32 @!p0 $0x88, s6;
	s7 =	simm.s32 @p2 $0x1082  }
0x22: {  	[simem:s7], [sflag:s8] =	dma.local @!p0 [hbm:s6], $0xF7A  }
0x23: {  	s9 =	sor.u32 $0xD0000000, s2;
	s6 =	simm.s32 $0x108;
	_ =	swait.ge @!p0 [sflag:s8], $0x0  }
0x24: {  	s3 =	sadd.s32 $0x88, s3;
	s6 =	simm.s32 @!p1 $0x1082;
	[sflag:s4] =	ssyncset.s32 $0xFFFFF086  }
0x25: {  	[simem:s6], [sflag:s4] =	dma.local [hbm:s3], $0xF7A  }
0x26: {  	[smem:$0x3F9C] =	sst s1;
	(tag) =	ssettag s2;
	_ =	strace s9  }
0x27: {  	s1 =	sld [smem:$0x3FAC]  }
0x28: {  	s2 =	sld [smem:$0x3FAD]  }
0x29: {  	s4 =	sld [smem:$0x3FAF]  }
0x2a: {  	p0 =	seq.s32 s5, $0x0;
	s5 =	sld [smem:$0x3FB0]  }
0x2b: {  	s6 =	sld [smem:$0x3FB1]  }
0x2c: {  	s7 =	sld [smem:$0x3FB2]  }
0x2d: {  	s3 =	simm.s32 $0x108;
	s8 =	sld [smem:$0x3FB3]  }
0x2e: {  	s3 =	simm.s32 @!p0 $0x1082;
	s9 =	sld [smem:$0x3FB4]  }
0x2f: {  	lr =	sadd.s32 s0, s3;
	s0 =	sld [smem:$0x3FAB]  }
0x30: {  	s3 =	sld [smem:$0x3FAE]  }
0x31: {  	[smem:$0x3FB7] =	sst s10  }
0x32: {  	s10 =	sld [smem:$0x3FB5];
	_ =	sdelay $0x3  }
0x33: {  	p0 =	seq.s32 s10, $0x1;
	s10 =	sld [smem:$0x3FB7];
	_ =	sdelay $0x3  }
0x34: {  	[smem:$0x3FB7] =	sst s10  }
0x35: {  	s10 =	sld [smem:$0x3FB6];
	_ =	sdelay $0x3  }
0x36: {  	p1 =	seq.s32 s10, $0x1;
	s10 =	sld [smem:$0x3FB7];
	_ =	sdelay $0x3  }
0x37: {  	[smem:$0x3FB7] =	sst s10  }
0x38: {  	s10 =	sld [smem:$0x3FB8]  }
0x39: {  	_ = 	snop;
	(pc) =	sbr.ind lr, $3  }
0x3a: {  	_ = 	snop  }
0x3b: {  	_ = 	snop  }
0x3c: {  	p2 =	seq.s32 s10, $0x1;
	s10 =	sld [smem:$0x3FB7]  }
0x3d: {  	_ =	shalt  }
0x3e: {  	_ =	shalt  }
0x3f: {  	_ =	shalt  }
0x40: {  	_ =	shalt  }
0x41: {  	_ =	shalt  }
0x42: {  	_ =	shalt  }
0x43: {  	_ =	shalt  }
0x44: {  	_ =	shalt  }
0x45: {  	_ =	shalt  }
0x46: {  	_ =	shalt  }
0x47: {  	_ =	shalt  }
0x48: {  	_ =	shalt  }
0x49: {  	_ =	shalt  }
0x4a: {  	_ =	shalt  }
0x4b: {  	_ =	shalt  }
0x4c: {  	_ =	shalt  }
0x4d: {  	_ =	shalt  }
0x4e: {  	_ =	shalt  }
0x4f: {  	_ =	shalt  }
0x50: {  	_ =	shalt  }
0x51: {  	_ =	shalt  }
0x52: {  	_ =	shalt  }
0x53: {  	_ =	shalt  }
0x54: {  	_ =	shalt  }
0x55: {  	_ =	shalt  }
0x56: {  	_ =	shalt  }
0x57: {  	_ =	shalt  }
0x58: {  	_ =	shalt  }
0x59: {  	_ =	shalt  }
0x5a: {  	_ =	shalt  }
0x5b: {  	_ =	shalt  }
0x5c: {  	_ =	shalt  }
0x5d: {  	_ =	shalt  }
0x5e: {  	_ =	shalt  }
0x5f: {  	_ =	shalt  }
0x60: {  	_ =	shalt  }
0x61: {  	_ =	shalt  }
0x62: {  	_ =	shalt  }
0x63: {  	_ =	shalt  }
0x64: {  	_ =	shalt  }
0x65: {  	_ =	shalt  }
0x66: {  	_ =	shalt  }
0x67: {  	_ =	shalt  }
0x68: {  	_ =	shalt  }
0x69: {  	_ =	shalt  }
0x6a: {  	_ =	shalt  }
0x6b: {  	_ =	shalt  }
0x6c: {  	_ =	shalt  }
0x6d: {  	_ =	shalt  }
0x6e: {  	_ =	shalt  }
0x6f: {  	_ =	shalt  }
0x70: {  	_ =	shalt  }
0x71: {  	_ =	shalt  }
0x72: {  	_ =	shalt  }
0x73: {  	_ =	shalt  }
0x74: {  	_ =	shalt  }
0x75: {  	_ =	shalt  }
0x76: {  	_ =	shalt  }
0x77: {  	_ =	shalt  }
0x78: {  	_ =	shalt  }
0x79: {  	_ =	shalt  }
0x7a: {  	_ =	shalt  }
0x7b: {  	_ =	shalt  }
0x7c: {  	_ =	shalt  }
0x7d: {  	_ =	shalt  }
0x7e: {  	_ =	shalt  }
0x7f: {  	_ =	shalt  }
0x80: {  	_ =	shalt  }
0x81: {  	_ =	shalt  }
0x82: {  	_ =	shalt  }
0x83: {  	_ =	shalt  }
0x84: {  	_ =	shalt  }
0x85: {  	_ =	shalt  }
0x86: {  	_ =	shalt  }
0x87: {  	_ =	shalt  }
.Lfunc_end0:
.L_simem_size_0:
called_computation_lowered:
.L_overlay_start_0:
0x88: {  	s2 =	sld [smem:$0x3FD9]  }
0x89: {  	s3 =	sld [smem:$0x3FFE];
	_ =	sdelay $0x1  }
0x8a: {  	s1 =	srdreg.scid  }
0x8b: {  	s0 =	sand.u32 $0x1, s1  }
0x8c: {  	s15 =	sshll.u32 s0, $0xA;
	s2 =	sadd.s32 s3, s2  }
0x8d: {  	s2 =	sadd.s32 s2, s15  }
0x8e: {  	[smem:$0x3FC3] =	sst s2  }
0x8f: {  	_ = 	snop  }
0x90: {  	s2 =	sld [smem:$0x3FD0];
	_ =	sdelay $0x1  }
0x91: {  	s16 =	sld [smem:$0x3FC9]  }
0x92: {  	s5 =	simm.s32 $0xA;
	s6 =	simm.s32 $0x10;
	s4 =	sld [smem:$0x3FC7]  }
0x93: {  	[smem:s6], [sflag:s5] =	dma.local [hbm:s2], $0x1  }
0x94: {  	_ =	swait.eq [sflag:s5], $0x1  }
0x95: {  	[sflag:s5] =	ssyncset.done $0x0  }
0x96: {  	[sflag:s5] =	ssyncadd.s32 $0xFFFFFFFF  }
0x97: {  	s17 =	sld [smem:$0x11];
	(tm) =	ssettm $0x1  }
0x98: {  	s18 =	sld [smem:$0x3FFB];
	_ =	sdelay $0x3  }
0x99: {  	_ =	strace s18  }
0x9a: {  	s5 =	sld [smem:$0x3FFC];
	_ =	sdelay $0x3  }
0x9b: {  	_ =	strace s5  }
0x9c: {  	s5 =	sld [smem:$0x3FFD];
	_ =	sdelay $0x3  }
0x9d: {  	_ =	strace s5  }
0x9e: {  	_ =	strace $0x8FFFFFFF  }
0x9f: {  	s19 =	sld [smem:$0x3FDB];
	_ =	sdelay $0x1  }
0xa0: {  	s20 =	simm.s32 $_scs_section_size  }
0xa1: {  	s7 =	simm.s32 $_size__tile_overlayer_lowered;
	s8 =	simm.s32 $_tile_overlayer_lowered  }
0xa2: {  	s23 =	simm.s32 $0x1BFF;
	s22 =	sshll.u32 s8, $0x1;
	s5 =	sadd.s32 s20, s19  }
0xa3: {  	s9 =	simm.s32 $0x0;
	s21 =	sshll.u32 s7, $0x1;
	s7 =	sadd.s32 s22, s5  }
0xa4: {  	[timem:s9], [sflag:s23] =	dma.local [hbm:s7], s21  }
0xa5: {  	_ =	swait.ge [sflag:s23], s21  }
0xa6: {  	s6 =	ssub.s32 $0x0, s21;
	[sflag:s23] =	ssyncset.done $0x0  }
0xa7: {  	[sflag:s23] =	ssyncadd.s32 s6;
	_ =	sdelay $0x1  }
0xa8: {  	s24 =	simm.s32 $0x1B8B  }
0xa9: {  	_ =	swait.ge [sflag:s24], $0x1  }
0xaa: {  	[sflag:s24] =	ssyncset.done $0x0  }
0xab: {  	s25 =	simm.s32 $0x1B8E;
	[sflag:s24] =	ssyncadd.s32 $0xFFFFFFFF  }
0xac: {  	s26 =	simm.s32 $execute0_lowered;
	[smem:$0x3FD2] =	sst s25  }
0xad: {  	s6 =	sshll.u32 s26, $0x1;
	_ =	strace $0x80000046;
	[dreg:$0x1] =	wrdreg $0xFFFFFFFF  }
0xae: {  	s28 =	simm.s32 $_size_execute0_lowered;
	s5 =	sadd.s32 s5, s6;
	[dreg:$0x0] =	wrdreg $0x0  }
0xaf: {  	s6 =	sshll.u32 s28, $0x1;
	[dreg:$0x2] =	wrdreg s5  }
0xb0: {  	[dreg:$0x3] =	wrdreg s6  }
0xb1: {  	[dreg:$0x4] =	wrdreg $0xC0  }
0xb2: {  	_ =	task [dreg:s9], $0x5FFFF  }
0xb3: {  	[dreg:$0x1] =	wrdreg $0xFFFFFFFF  }
0xb4: {  	[dreg:$0x0] =	wrdreg $0x60  }
0xb5: {  	[dreg:$0x2] =	wrdreg s16  }
0xb6: {  	[dreg:$0x3] =	wrdreg s4  }
0xb7: {  	[dreg:$0x4] =	wrdreg s17  }
0xb8: {  	[dreg:$0x5] =	wrdreg $0x9  }
0xb9: {  	_ =	task.clear_ibuf [dreg:s9], $0x6FFFF;
	_ =	strace $0x90000046  }
0xba: {  	s29 =	simm.s32 $0x9;
	_ =	strace $0x80000048  }
0xbb: {  	_ =	swait.ge [sflag:s29], $0x1  }
0xbc: {  	[sflag:s29] =	ssyncadd.s32 $0xFFFFFFFF  }
0xbd: {  	_ =	strace $0x90000048  }
0xbe: {  	_ =	sfence  }
0xbf: {  	s30 =	sld [smem:$0x0];
	_ =	sdelay $0x2  }
0xc0: {  	s31 =	sshll.u32 s1, $0xD;
	s1 =	sshrl.u32 s1, $0x2  }
0xc1: {  	s3 =	sand.u32 $0x4000, s31;
	s1 =	sadd.s32 s1, s30  }
0xc2: {  	s0 =	sor.u32 s3, s0;
	s1 =	sshll.u32 s1, $0x11  }
0xc3: {  	s0 =	sor.u32 s1, s0  }
0xc4: {  	s0 =	sadd.s32 $0x8F2B, s0  }
0xc5: {  	[sflag:s0] =	ssyncadd.remote.s32 $0x1  }
0xc6: {  	_ =	sfence.sel $0xFFFF  }
0xc7: {  	[dreg:$0x0] =	wrdreg $0xFFFFFFFF;
	(pc) =	sbr.abs _section_cstart, $3  }
0xc8: {  	[dreg:$0x1] =	wrdreg $0xFFFFFFFF  }
0xc9: {  	_ =	task.clear_ibuf [dreg:s9], $0x2FFFF;
	_ =	strace $0x9FFFFFFF  }
0xca: {  	(tm) =	ssettm $0x7FFFFFFF  }
0xcb: {  	_ =	shalt  }
tec
execute0_lowered:
.L_overlay_start_1:
0x0: {  	(tag) =	ssettag $0x1  }
0x1: {  	s1 =	rddreg [dreg:$0x0]  }
0x2: {  	s2 =	rddreg [dreg:$0x1]  }
0x3: {  	s0 =	srdreg.scid;
	s3 =	rddreg [dreg:$0x2];
	s5 =	simm.s32 $0x0  }
0x4: {  	s4 =	stileid.u32;
	s9 =	simm.s32 $0x1;
	s6 =	sand.u32 $0x1, s0  }
0x5: {  	s10 =	simm.s32 $0x0;
	s0 =	rddreg [dreg:$0x3];
	s7 =	ssub.s32 $0x2, s6  }
0x6: {  	[smem:$0x7FF] =	sst s5;
	s6 =	sshll.u32 s6, $0x4;
	s8 =	sshrl.u32 s7, $0x1  }
0x7: {  	_ =	strace $0x80000047;
	s6 =	sor.u32 s4, s6;
	s7 =	ssub.s32 s7, s8  }
0x8: {  	s6 =	smul.u32 $0x6, s6;
	s8 =	simm.s32 $0x7000;
	s7 =	smax.u32 s7, $0x1  }
.LBB2_1:
0x9: {  	_ = 	snop  }
0xa: {  	s11 =	sadd.s32 $0x0, s6  }
0xb: {  	s12 =	smulhi.u32 $0x2AAAAAAB, s11;
	_ =	sdelay $0x1  }
0xc: {  	s12 =	sshrl.u32 s12, $0x4  }
0xd: {  	s13 =	sand.u32 $0x1, s5;
	s14 =	smul.u32 $0x60, s12  }
0xe: {  	p0 =	seq.s32 s13, $0x1  }
0xf: {  	s13 =	simm.s32 $0x7000;
	s12 =	smul.u32 $0x540000, s12;
	s11 =	ssub.s32 s11, s14  }
0x10: {  	s13 =	simm.s32 @!p0 $0x0;
	s11 =	smul.u32 $0xE000, s11  }
0x11: {  	s16 =	sadd.s32 $0x0, s6;
	s26 =	sor.u32 s13, s12  }
0x12: {  	s17 =	smulhi.u32 $0x2AAAAAAB, s16;
	s14 =	sadd.s32 s11, s26  }
0x13: {  	s14 =	sshrl.u32 s14, $0x3  }
0x14: {  	s29 =	sshrl.u32 s17, $0x4;
	s14 =	sadd.s32 $0x3F0000, s14  }
0x15: {  	s28 =	simm.s32 $0x1;
	s30 =	smul.u32 $0x60, s29;
	s15 =	sadd.s32 s1, s14  }
0x16: {  	[tilespmem:s5], [sflag:$0x1] =	stream.linear.gather [hbm4b:s15+s5], $0x7000, $0x38;
	[tilespmem:$0xE000] =	vst v63  }
0x17: {  	s11 =	sadd.s32 s13, s11;
	s13 =	ssub.s32 s16, s30;
	_ =	swait.ge [sflag:s9], $0x7000  }
0x18: {  	s12 =	sadd.s32 s12, s11;
	s11 =	smul.u32 $0x540000, s29;
	[sflag:s9] =	ssyncset.done $0x0  }
0x19: {  	s13 =	smul.u32 $0xE000, s13;
	s14 =	sadd.s32 s2, s14;
	[sflag:s9] =	ssyncadd.s32 $0xFFFF9000  }
0x1a: {  	[tilespmem:s8], [sflag:$0x1] =	stream.linear.gather [hbm4b:s14+s5], $0x7000, $0x38;
	[tilespmem:$0xE000] =	vst v63  }
0x1b: {  	s31 =	sshrl.u32 s12, $0x3;
	s15 =	sand.u32 $0x1, s28;
	_ =	swait.ge [sflag:s9], $0x7000  }
0x1c: {  	s12 =	simm.s32 $0x7000;
	p0 =	seq.s32 s15, $0x1;
	[sflag:s9] =	ssyncset.done $0x0  }
0x1d: {  	s12 =	simm.s32 @!p0 $0x0;
	s14 =	sadd.s32 s3, s31;
	[sflag:s9] =	ssyncadd.s32 $0xFFFF9000  }
0x1e: {  	[hbm4b:s14+s5] =	stream.linear.scatter [tilespmem:s5], [sflag:$0x1], $0x7000, $0x38;
	[tilespmem:$0xE000] =	vst v63  }
0x1f: {  	s15 =	sor.u32 s12, s11;
	s14 =	simm.s32 $0x2  }
.LBB2_2:
0x20: {  	s15 =	sadd.s32 s13, s15  }
0x21: {  	_ =	swait.ge [sflag:s9], $0x7000;
	s16 =	smov.u32 s14;
	s17 =	sadd.s32 $0x1, s14  }
0x22: {  	p0 =	sne.s32 s14, $0xB;
	s14 =	sshrl.u32 s15, $0x3;
	[sflag:s9] =	ssyncset.done $0x0  }
0x23: {  	s14 =	sadd.s32 $0x3F0000, s14;
	[sflag:s9] =	ssyncadd.s32 $0xFFFF9000  }
0x24: {  	s15 =	sadd.s32 s1, s14  }
0x25: {  	[tilespmem:s5], [sflag:$0x1] =	stream.linear.gather [hbm4b:s15+s5], $0x7000, $0x38;
	[tilespmem:$0xE000] =	vst v63  }
0x26: {  	s14 =	sadd.s32 s2, s14;
	s15 =	sshrl.u32 s16, $0x1;
	_ =	swait.ge [sflag:s9], $0x7000  }
0x27: {  	s16 =	sand.u32 $0x1, s16;
	s15 =	sadd.s32 s6, s15;
	[sflag:s9] =	ssyncset.done $0x0  }
0x28: {  	p1 =	seq.s32 s16, $0x1;
	s16 =	smulhi.u32 $0x2AAAAAAB, s15;
	[sflag:s9] =	ssyncadd.s32 $0xFFFF9000  }
0x29: {  	[tilespmem:s8], [sflag:$0x1] =	stream.linear.gather [hbm4b:s14+s5], $0x7000, $0x38;
	[tilespmem:$0xE000] =	vst v63  }
0x2a: {  	s12 =	sadd.s32 s12, s13;
	s14 =	sshrl.u32 s16, $0x4  }
0x2b: {  	s12 =	sadd.s32 s11, s12;
	_ =	swait.ge [sflag:s9], $0x7000;
	s13 =	smul.u32 $0x60, s14  }
0x2c: {  	s11 =	smul.u32 $0x540000, s14;
	s14 =	sshrl.u32 s12, $0x3;
	[sflag:s9] =	ssyncset.done $0x0  }
.Ltmp0:
0x2d: {  	s12 =	simm.s32 $0x7000;
	[sflag:s9] =	ssyncadd.s32 $0xFFFF9000;
	(pc) =	sbr.rel @p0 .LBB2_2-.Ltmp0, $4  }
0x2e: {  	s12 =	simm.s32 @!p1 $0x0;
	s14 =	sadd.s32 s3, s14;
	s13 =	ssub.s32 s15, s13  }
0x2f: {  	s15 =	sor.u32 s12, s11;
	s13 =	smul.u32 $0xE000, s13  }
0x30: {  	[hbm4b:s14+s5] =	stream.linear.scatter [tilespmem:s5], [sflag:$0x1], $0x7000, $0x38;
	[tilespmem:$0xE000] =	vst v63  }
0x31: {  	s14 =	smov.u32 s17  }
0x32: {  	s14 =	sadd.s32 s13, s15  }
0x33: {  	_ =	swait.ge [sflag:s9], $0x7000;
	s14 =	sshrl.u32 s14, $0x3  }
0x34: {  	[sflag:s9] =	ssyncset.done $0x0;
	s14 =	sadd.s32 $0x3F0000, s14  }
0x35: {  	[sflag:s9] =	ssyncadd.s32 $0xFFFF9000;
	s31 =	sadd.s32 s1, s14  }
0x36: {  	[tilespmem:s5], [sflag:$0x1] =	stream.linear.gather [hbm4b:s31+s5], $0x7000, $0x38;
	[tilespmem:$0xE000] =	vst v63  }
0x37: {  	_ =	swait.ge [sflag:s9], $0x7000  }
0x38: {  	[sflag:s9] =	ssyncset.done $0x0  }
0x39: {  	s12 =	sadd.s32 s12, s13;
	s14 =	sadd.s32 s2, s14;
	[sflag:s9] =	ssyncadd.s32 $0xFFFF9000  }
0x3a: {  	[tilespmem:s8], [sflag:$0x1] =	stream.linear.gather [hbm4b:s14+s5], $0x7000, $0x38;
	[tilespmem:$0xE000] =	vst v63  }
0x3b: {  	s10 =	sadd.s32 $0x1, s10;
	s11 =	sadd.s32 s11, s12;
	_ =	swait.ge [sflag:s9], $0x7000  }
0x3c: {  	p0 =	sne.s32 s10, s7;
	s11 =	sshrl.u32 s11, $0x3;
	[sflag:s9] =	ssyncset.done $0x0  }
.Ltmp1:
0x3d: {  	s11 =	sadd.s32 s3, s11;
	[sflag:s9] =	ssyncadd.s32 $0xFFFF9000;
	(pc) =	sbr.rel @p0 .LBB2_1-.Ltmp1, $4  }
0x3e: {  	[hbm4b:s11+s5] =	stream.linear.scatter [tilespmem:s5], [sflag:$0x1], $0x7000, $0x38;
	[tilespmem:$0xE000] =	vst v63  }
0x3f: {  	_ =	swait.ge [sflag:s9], $0x7000  }
0x40: {  	[sflag:s9] =	ssyncset.done $0x0  }
0x41: {  	[sflag:s9] =	ssyncadd.s32 $0xFFFF9000  }
0x42: {  	_ =	sfence.sel $0x180000  }
0x43: {  	[bflag:$0x0] =	sbarrier.arrive $0xFFFF  }
0x44: {  	p0 =	sne.s32 s4, $0x0;
	_ =	strace $0x90000047  }
0x45: {  	s0 =	sadd.s32 @!p0 $0x100000, s0;
	[bflag:$0x2] =	sbarrier.arrive $0xFFFF  }
0x46: {  	[sflag:s0] =	ssyncadd.tile.s32 @!p0 $0x1;
	_ =	shalt  }
.Lfunc_end2:
_tile_overlayer_lowered:
.L_overlay_start_2:
0x47: {  	(tag) =	ssettag $0x2  }
0x48: {  	s0 =	rddreg [dreg:$0x0];
	s2 =	stileid.u32  }
0x49: {  	s1 =	rddreg [dreg:$0x1];
	p0 =	sne.s32 s2, $0x0  }
0x4a: {  	s3 =	rddreg [dreg:$0x2];
	[bflag:$0x3] =	sbarrier.arrive $0xFFFF;
	s2 =	simm.s32 @!p0 $0x1C01  }
0x4b: {  	[timem:s3], [sflag:s2] =	dma.local @!p0 [hbm:s0], s1  }
0x4c: {  	s0 =	simm.s32 @!p0 $0x1  }
0x4d: {  	_ =	swait.ge @!p0 [sflag:s0], s1  }
0x4e: {  	s1 =	ssub.s32 @!p0 $0x0, s1;
	[sflag:s0] =	ssyncset.done @!p0 $0x0  }
0x4f: {  	[sflag:s0] =	ssyncadd.s32 @!p0 s1  }
0x50: {  	[bflag:$0x3] =	sbarrier.arrive $0xFFFF  }
0x51: {  	_ =	shalt  }

</sc_bundles>
